<compile_context>
chip_gen: v7x
topology: tpu7x:2x2x1
jax: 0.10.2.dev20260603
libtpu: 0.0.44.dev20260713+nightly
codegen_flags: <defaults>
</compile_context>

<pallas_src>
import functools

import jax
import jax.numpy as jnp
from jax import lax
from jax.experimental import pallas as pl
from jax.experimental.pallas import tpu as pltpu
from jax.experimental.pallas import tpu_sc as plsc

MAX_T = 1.0
K = 32
N_ELEMS = 8388608
NC, NS = 2, 16
NW = NC * NS
LANES = 16
CHUNK = 8192
PER_W = N_ELEMS // NW


def _butterfly(x, red_v, op):
    idx = lax.iota(jnp.int32, LANES)
    for sh in (8, 4, 2, 1):
        red_v[...] = x
        x = op(x, plsc.load_gather(red_v, [idx ^ sh]))
    return x


def _prefix_sum(x, red_v):
    idx = lax.iota(jnp.int32, LANES)
    for sh in (1, 2, 4, 8):
        red_v[...] = x
        w = plsc.load_gather(red_v, [jnp.maximum(idx - sh, 0)])
        x = x + jnp.where(idx >= sh, w, 0.0)
    return x


def _compute_tables(logdt_v, dt_v, tau_v, red_v):
    v0 = logdt_v[pl.ds(0, LANES)]
    v1 = logdt_v[pl.ds(LANES, LANES)]
    m = _butterfly(jnp.maximum(v0, v1), red_v, jnp.maximum)
    e0 = jnp.exp(v0 - m)
    e1 = jnp.exp(v1 - m)
    s = _butterfly(e0 + e1, red_v, jnp.add)
    inv = MAX_T / s
    d0 = e0 * inv
    d1 = e1 * inv
    dt_v[pl.ds(0, LANES)] = d0
    dt_v[pl.ds(LANES, LANES)] = d1
    c0 = _prefix_sum(d0, red_v)
    sum0 = _butterfly(d0, red_v, jnp.add)
    c1 = _prefix_sum(d1, red_v) + sum0
    tau_v[pl.ds(0, LANES)] = c0
    tau_v[pl.ds(LANES, LANES)] = c1


def _body(t_hbm, logdt_hbm, ind_hbm, dt_hbm, dtind_hbm, tauind_hbm,
          taunext_hbm, logdt_v, dt_v, tau_v, red_v, t_v, ind_v, dtind_v,
          tauind_v, taunext_v):
    wid = lax.axis_index("s") * NC + lax.axis_index("c")

    pltpu.sync_copy(logdt_hbm, logdt_v)
    _compute_tables(logdt_v, dt_v, tau_v, red_v)

    @pl.when(wid == 0)
    def _():
        pltpu.sync_copy(dt_v, dt_hbm)

    def chunk_body(g, _):
        base = wid * PER_W + g * CHUNK
        pltpu.sync_copy(t_hbm.at[pl.ds(base, CHUNK)], t_v)

        def vec_body(i, _):
            off = i * LANES
            t16 = t_v[pl.ds(off, LANES)]
            lo = jnp.zeros((LANES,), jnp.int32)
            for step in (16, 8, 4, 2, 1):
                probe = lo + (step - 1)
                tv = plsc.load_gather(tau_v, [probe])
                lo = lo + jnp.where(tv < t16, step, 0)
            ind = jnp.minimum(lo, K - 1)
            tnext = plsc.load_gather(tau_v, [ind])
            dti = plsc.load_gather(dt_v, [ind])
            ind_v[pl.ds(off, LANES)] = ind
            dtind_v[pl.ds(off, LANES)] = dti
            tauind_v[pl.ds(off, LANES)] = tnext - dti
            taunext_v[pl.ds(off, LANES)] = tnext
            return 0

        lax.fori_loop(0, CHUNK // LANES, vec_body, 0)

        pltpu.sync_copy(ind_v, ind_hbm.at[pl.ds(base, CHUNK)])
        pltpu.sync_copy(dtind_v, dtind_hbm.at[pl.ds(base, CHUNK)])
        pltpu.sync_copy(tauind_v, tauind_hbm.at[pl.ds(base, CHUNK)])
        pltpu.sync_copy(taunext_v, taunext_hbm.at[pl.ds(base, CHUNK)])
        return 0

    lax.fori_loop(0, PER_W // CHUNK, chunk_body, 0)


_grid_kernel = functools.partial(
    pl.kernel,
    out_type=(
        jax.ShapeDtypeStruct((N_ELEMS,), jnp.int32),
        jax.ShapeDtypeStruct((K,), jnp.float32),
        jax.ShapeDtypeStruct((N_ELEMS,), jnp.float32),
        jax.ShapeDtypeStruct((N_ELEMS,), jnp.float32),
        jax.ShapeDtypeStruct((N_ELEMS,), jnp.float32),
    ),
    mesh=plsc.VectorSubcoreMesh(core_axis_name="c", subcore_axis_name="s",
                                num_cores=NC, num_subcores=NS),
    compiler_params=pltpu.CompilerParams(needs_layout_passes=False),
    scratch_types=[
        pltpu.VMEM((K,), jnp.float32),
        pltpu.VMEM((K,), jnp.float32),
        pltpu.VMEM((K,), jnp.float32),
        pltpu.VMEM((LANES,), jnp.float32),
        pltpu.VMEM((CHUNK,), jnp.float32),
        pltpu.VMEM((CHUNK,), jnp.int32),
        pltpu.VMEM((CHUNK,), jnp.float32),
        pltpu.VMEM((CHUNK,), jnp.float32),
        pltpu.VMEM((CHUNK,), jnp.float32),
    ],
)(_body)


@jax.jit
def kernel(t, z, log_prop_dt):
    ind, dt, dt_ind, tau_ind, tau_next_ind = _grid_kernel(t, log_prop_dt)
    return (ind, dt, dt_ind, tau_ind, tau_next_ind, z)

# --- scband reference (transcript-rebuilt; emitter-appended) ---
"""Pipeline reference for scband-trainable-grid-77902116815014 (READ-ONLY COPY).

The authoritative reference and input builder live on the scoring server;
editing this copy changes nothing except your own understanding.
"""

import jax, jax.numpy as jnp
import numpy as np

MAX_TIME = 1.0
NUM_INTERVALS = 32
N = 8388608


def setup_inputs(seed: int = 0) -> dict:
    key = jax.random.key(seed)
    k1, k2 = jax.random.split(key)
    t = jax.random.uniform(k1, (N,), dtype=jnp.float32) * MAX_TIME
    z = jax.random.normal(k2, (N,), dtype=jnp.float32)
    # Learned parameter: log_prop_dt = log(diff(discretization_times)) - max(...)
    # For uniform spacing this is exactly zeros, matching the torch init.
    log_prop_dt = jnp.zeros((NUM_INTERVALS,), dtype=jnp.float32)
    return {"t": t, "z": z, "log_prop_dt": log_prop_dt}


def reference(t, z, log_prop_dt):
    # TrainableGrid.bin(t, z)
    delta = jax.nn.softmax(log_prop_dt, axis=0)
    dt = MAX_TIME * delta
    tau = jnp.cumsum(dt, axis=0)
    ind = jnp.searchsorted(tau, t, side='left')
    ind = jnp.minimum(ind, tau.shape[0] - 1)  # .clip(None, num_intervals-1)
    tau_next_ind = tau[ind]
    dt_ind = dt[ind]
    tau_ind = tau_next_ind - dt_ind
    # Discretization(ind, dt, dt_ind, tau_ind, tau_next_ind), z
    return (ind, dt, dt_ind, tau_ind, tau_next_ind, z)

if __name__ == "__main__":
    import jax
    _d = setup_inputs()
    print(jax.jit(kernel)(*tuple(_d.values())))

</pallas_src>

<mosaic_0001>
#map = affine_map<(d0, d1) -> (0)>
module attributes {stable_mosaic.version = 14 : i64} {
  func.func @_body(%arg0: i32, %arg1: i32, %arg2: memref<8388608xf32, #tpu.memory_space<hbm>>, %arg3: memref<32xf32, #tpu.memory_space<hbm>>, %arg4: memref<8388608xi32, #tpu.memory_space<hbm>>, %arg5: memref<32xf32, #tpu.memory_space<hbm>>, %arg6: memref<8388608xf32, #tpu.memory_space<hbm>>, %arg7: memref<8388608xf32, #tpu.memory_space<hbm>>, %arg8: memref<8388608xf32, #tpu.memory_space<hbm>>, %arg9: memref<32xf32, #tpu.memory_space<vmem>>, %arg10: memref<32xf32, #tpu.memory_space<vmem>>, %arg11: memref<32xf32, #tpu.memory_space<vmem>>, %arg12: memref<16xf32, #tpu.memory_space<vmem>>, %arg13: memref<8192xf32, #tpu.memory_space<vmem>>, %arg14: memref<8192xi32, #tpu.memory_space<vmem>>, %arg15: memref<8192xf32, #tpu.memory_space<vmem>>, %arg16: memref<8192xf32, #tpu.memory_space<vmem>>, %arg17: memref<8192xf32, #tpu.memory_space<vmem>>) attributes {dimension_semantics = [#tpu.dimension_semantics<core_parallel>, #tpu.dimension_semantics<subcore_parallel>], iteration_bounds = array<i64: 2, 16>, scalar_prefetch = 0 : i64, scratch_operands = 9 : i64, tpu.core_type = #tpu.core_type<sc_vector_subcore>, window_params = [{transform_indices = #map}, {transform_indices = #map}, {transform_indices = #map}, {transform_indices = #map}, {transform_indices = #map}, {transform_indices = #map}, {transform_indices = #map}]} {
    %mul3A = arith.constant 2 : i32
    %mul3A_0 = arith.muli %arg1, %mul3A : i32
    %add3A = arith.addi %mul3A_0, %arg0 : i32
    "tpu.region"() ({
      %run_scoped3A = tpu.sem_alloc : memref<!tpu.dma_semaphore, #tpu.memory_space<semaphore_mem>>
      tpu.enqueue_dma source(%arg3 : memref<32xf32, #tpu.memory_space<hbm>>) target(%arg9 : memref<32xf32, #tpu.memory_space<vmem>>) target_semaphore(%run_scoped3A : memref<!tpu.dma_semaphore, #tpu.memory_space<semaphore_mem>>)
      tpu.wait_dma2 semaphore(%run_scoped3A : memref<!tpu.dma_semaphore, #tpu.memory_space<semaphore_mem>>) src(%arg3 : memref<32xf32, #tpu.memory_space<hbm>>) dst(%arg9 : memref<32xf32, #tpu.memory_space<vmem>>)
      tpu.yield
    }) : () -> ()
    %get3A = arith.constant 0 : index
    %get3A_1 = tpu.vector_load %arg9[%get3A] {strides = array<i32>} : memref<32xf32, #tpu.memory_space<vmem>>, vector<16xf32>,
    %get3A_2 = arith.constant 16 : index
    %get3A_3 = tpu.vector_load %arg9[%get3A_2] {strides = array<i32>} : memref<32xf32, #tpu.memory_space<vmem>>, vector<16xf32>,
    %max3A = arith.maximumf %get3A_1, %get3A_3 : vector<16xf32>
    %iota3A = tpu.iota {dimensions = array<i32: 0>} : vector<16xi32>
    %swap3A = arith.constant 0 : index
    %swap3A_4 = tpu.vector_load %arg12[%swap3A] {strides = array<i32>} : memref<16xf32, #tpu.memory_space<vmem>>, vector<16xf32>,
    tpu.vector_store %arg12[%swap3A], %max3A {strides = array<i32>} : memref<16xf32, #tpu.memory_space<vmem>>, vector<16xf32>,
    %xor3A = arith.constant 8 : i32
    %xor3A_5 = vector.broadcast %xor3A : i32 to vector<16xi32>
    %xor3A_6 = arith.xori %iota3A, %xor3A_5 : vector<16xi32>
    %gather3A = tpu.vector_load_idx %arg12[%xor3A_6] : memref<16xf32, #tpu.memory_space<vmem>>[vector<16xi32>], vector<16xf32>,
    %max3A_7 = arith.maximumf %max3A, %gather3A : vector<16xf32>
    %swap3A_8 = arith.constant 0 : index
    %swap3A_9 = tpu.vector_load %arg12[%swap3A_8] {strides = array<i32>} : memref<16xf32, #tpu.memory_space<vmem>>, vector<16xf32>,
    tpu.vector_store %arg12[%swap3A_8], %max3A_7 {strides = array<i32>} : memref<16xf32, #tpu.memory_space<vmem>>, vector<16xf32>,
    %xor3A_10 = arith.constant 4 : i32
    %xor3A_11 = vector.broadcast %xor3A_10 : i32 to vector<16xi32>
    %xor3A_12 = arith.xori %iota3A, %xor3A_11 : vector<16xi32>
    %gather3A_13 = tpu.vector_load_idx %arg12[%xor3A_12] : memref<16xf32, #tpu.memory_space<vmem>>[vector<16xi32>], vector<16xf32>,
    %max3A_14 = arith.maximumf %max3A_7, %gather3A_13 : vector<16xf32>
    %swap3A_15 = arith.constant 0 : index
    %swap3A_16 = tpu.vector_load %arg12[%swap3A_15] {strides = array<i32>} : memref<16xf32, #tpu.memory_space<vmem>>, vector<16xf32>,
    tpu.vector_store %arg12[%swap3A_15], %max3A_14 {strides = array<i32>} : memref<16xf32, #tpu.memory_space<vmem>>, vector<16xf32>,
    %xor3A_17 = arith.constant 2 : i32
    %xor3A_18 = vector.broadcast %xor3A_17 : i32 to vector<16xi32>
    %xor3A_19 = arith.xori %iota3A, %xor3A_18 : vector<16xi32>
    %gather3A_20 = tpu.vector_load_idx %arg12[%xor3A_19] : memref<16xf32, #tpu.memory_space<vmem>>[vector<16xi32>], vector<16xf32>,
    %max3A_21 = arith.maximumf %max3A_14, %gather3A_20 : vector<16xf32>
    %swap3A_22 = arith.constant 0 : index
    %swap3A_23 = tpu.vector_load %arg12[%swap3A_22] {strides = array<i32>} : memref<16xf32, #tpu.memory_space<vmem>>, vector<16xf32>,
    tpu.vector_store %arg12[%swap3A_22], %max3A_21 {strides = array<i32>} : memref<16xf32, #tpu.memory_space<vmem>>, vector<16xf32>,
    %xor3A_24 = arith.constant 1 : i32
    %xor3A_25 = vector.broadcast %xor3A_24 : i32 to vector<16xi32>
    %xor3A_26 = arith.xori %iota3A, %xor3A_25 : vector<16xi32>
    %gather3A_27 = tpu.vector_load_idx %arg12[%xor3A_26] : memref<16xf32, #tpu.memory_space<vmem>>[vector<16xi32>], vector<16xf32>,
    %max3A_28 = arith.maximumf %max3A_21, %gather3A_27 : vector<16xf32>
    %sub3A = arith.subf %get3A_1, %max3A_28 : vector<16xf32>
    %exp3A = math.exp %sub3A : vector<16xf32>
    %sub3A_29 = arith.subf %get3A_3, %max3A_28 : vector<16xf32>
    %exp3A_30 = math.exp %sub3A_29 : vector<16xf32>
    %add3A_31 = arith.addf %exp3A, %exp3A_30 : vector<16xf32>
    %iota3A_32 = tpu.iota {dimensions = array<i32: 0>} : vector<16xi32>
    %swap3A_33 = arith.constant 0 : index
    %swap3A_34 = tpu.vector_load %arg12[%swap3A_33] {strides = array<i32>} : memref<16xf32, #tpu.memory_space<vmem>>, vector<16xf32>,
    tpu.vector_store %arg12[%swap3A_33], %add3A_31 {strides = array<i32>} : memref<16xf32, #tpu.memory_space<vmem>>, vector<16xf32>,
    %xor3A_35 = arith.constant 8 : i32
    %xor3A_36 = vector.broadcast %xor3A_35 : i32 to vector<16xi32>
    %xor3A_37 = arith.xori %iota3A_32, %xor3A_36 : vector<16xi32>
    %gather3A_38 = tpu.vector_load_idx %arg12[%xor3A_37] : memref<16xf32, #tpu.memory_space<vmem>>[vector<16xi32>], vector<16xf32>,
    %add3A_39 = arith.addf %add3A_31, %gather3A_38 : vector<16xf32>
    %swap3A_40 = arith.constant 0 : index
    %swap3A_41 = tpu.vector_load %arg12[%swap3A_40] {strides = array<i32>} : memref<16xf32, #tpu.memory_space<vmem>>, vector<16xf32>,
    tpu.vector_store %arg12[%swap3A_40], %add3A_39 {strides = array<i32>} : memref<16xf32, #tpu.memory_space<vmem>>, vector<16xf32>,
    %xor3A_42 = arith.constant 4 : i32
    %xor3A_43 = vector.broadcast %xor3A_42 : i32 to vector<16xi32>
    %xor3A_44 = arith.xori %iota3A_32, %xor3A_43 : vector<16xi32>
    %gather3A_45 = tpu.vector_load_idx %arg12[%xor3A_44] : memref<16xf32, #tpu.memory_space<vmem>>[vector<16xi32>], vector<16xf32>,
    %add3A_46 = arith.addf %add3A_39, %gather3A_45 : vector<16xf32>
    %swap3A_47 = arith.constant 0 : index
    %swap3A_48 = tpu.vector_load %arg12[%swap3A_47] {strides = array<i32>} : memref<16xf32, #tpu.memory_space<vmem>>, vector<16xf32>,
    tpu.vector_store %arg12[%swap3A_47], %add3A_46 {strides = array<i32>} : memref<16xf32, #tpu.memory_space<vmem>>, vector<16xf32>,
    %xor3A_49 = arith.constant 2 : i32
    %xor3A_50 = vector.broadcast %xor3A_49 : i32 to vector<16xi32>
    %xor3A_51 = arith.xori %iota3A_32, %xor3A_50 : vector<16xi32>
    %gather3A_52 = tpu.vector_load_idx %arg12[%xor3A_51] : memref<16xf32, #tpu.memory_space<vmem>>[vector<16xi32>], vector<16xf32>,
    %add3A_53 = arith.addf %add3A_46, %gather3A_52 : vector<16xf32>
    %swap3A_54 = arith.constant 0 : index
    %swap3A_55 = tpu.vector_load %arg12[%swap3A_54] {strides = array<i32>} : memref<16xf32, #tpu.memory_space<vmem>>, vector<16xf32>,
    tpu.vector_store %arg12[%swap3A_54], %add3A_53 {strides = array<i32>} : memref<16xf32, #tpu.memory_space<vmem>>, vector<16xf32>,
    %xor3A_56 = arith.constant 1 : i32
    %xor3A_57 = vector.broadcast %xor3A_56 : i32 to vector<16xi32>
    %xor3A_58 = arith.xori %iota3A_32, %xor3A_57 : vector<16xi32>
    %gather3A_59 = tpu.vector_load_idx %arg12[%xor3A_58] : memref<16xf32, #tpu.memory_space<vmem>>[vector<16xi32>], vector<16xf32>,
    %add3A_60 = arith.addf %add3A_53, %gather3A_59 : vector<16xf32>
    %div3A = arith.constant 1.000000e+00 : f32
    %div3A_61 = vector.broadcast %div3A : f32 to vector<16xf32>
    %div3A_62 = arith.divf %div3A_61, %add3A_60 : vector<16xf32>
    %mul3A_63 = arith.mulf %exp3A, %div3A_62 : vector<16xf32>
    %mul3A_64 = arith.mulf %exp3A_30, %div3A_62 : vector<16xf32>
    %swap3A_65 = arith.constant 0 : index
    %swap3A_66 = tpu.vector_load %arg10[%swap3A_65] {strides = array<i32>} : memref<32xf32, #tpu.memory_space<vmem>>, vector<16xf32>,
    tpu.vector_store %arg10[%swap3A_65], %mul3A_63 {strides = array<i32>} : memref<32xf32, #tpu.memory_space<vmem>>, vector<16xf32>,
    %swap3A_67 = arith.constant 16 : index
    %swap3A_68 = tpu.vector_load %arg10[%swap3A_67] {strides = array<i32>} : memref<32xf32, #tpu.memory_space<vmem>>, vector<16xf32>,
    tpu.vector_store %arg10[%swap3A_67], %mul3A_64 {strides = array<i32>} : memref<32xf32, #tpu.memory_space<vmem>>, vector<16xf32>,
    %iota3A_69 = tpu.iota {dimensions = array<i32: 0>} : vector<16xi32>
    %swap3A_70 = arith.constant 0 : index
    %swap3A_71 = tpu.vector_load %arg12[%swap3A_70] {strides = array<i32>} : memref<16xf32, #tpu.memory_space<vmem>>, vector<16xf32>,
    tpu.vector_store %arg12[%swap3A_70], %mul3A_63 {strides = array<i32>} : memref<16xf32, #tpu.memory_space<vmem>>, vector<16xf32>,
    %sub3A_72 = arith.constant 1 : i32
    %sub3A_73 = vector.broadcast %sub3A_72 : i32 to vector<16xi32>
    %sub3A_74 = arith.subi %iota3A_69, %sub3A_73 : vector<16xi32>
    %max3A_75 = arith.constant 0 : i32
    %max3A_76 = vector.broadcast %max3A_75 : i32 to vector<16xi32>
    %max3A_77 = arith.maxsi %sub3A_74, %max3A_76 : vector<16xi32>
    %gather3A_78 = tpu.vector_load_idx %arg12[%max3A_77] : memref<16xf32, #tpu.memory_space<vmem>>[vector<16xi32>], vector<16xf32>,
    %ge3A = arith.constant 1 : i32
    %ge3A_79 = vector.broadcast %ge3A : i32 to vector<16xi32>
    %ge3A_80 = arith.cmpi sge, %iota3A_69, %ge3A_79 : vector<16xi32>
    %jit3A = arith.constant 0.000000e+00 : f32
    %broadcast_in_dim3A = vector.broadcast %jit3A : f32 to vector<16xf32>
    %select_n3A = arith.select %ge3A_80, %gather3A_78, %broadcast_in_dim3A : vector<16xi1>, vector<16xf32>
    %add3A_81 = arith.addf %mul3A_63, %select_n3A : vector<16xf32>
    %swap3A_82 = arith.constant 0 : index
    %swap3A_83 = tpu.vector_load %arg12[%swap3A_82] {strides = array<i32>} : memref<16xf32, #tpu.memory_space<vmem>>, vector<16xf32>,
    tpu.vector_store %arg12[%swap3A_82], %add3A_81 {strides = array<i32>} : memref<16xf32, #tpu.memory_space<vmem>>, vector<16xf32>,
    %sub3A_84 = arith.constant 2 : i32
    %sub3A_85 = vector.broadcast %sub3A_84 : i32 to vector<16xi32>
    %sub3A_86 = arith.subi %iota3A_69, %sub3A_85 : vector<16xi32>
    %max3A_87 = arith.constant 0 : i32
    %max3A_88 = vector.broadcast %max3A_87 : i32 to vector<16xi32>
    %max3A_89 = arith.maxsi %sub3A_86, %max3A_88 : vector<16xi32>
    %gather3A_90 = tpu.vector_load_idx %arg12[%max3A_89] : memref<16xf32, #tpu.memory_space<vmem>>[vector<16xi32>], vector<16xf32>,
    %ge3A_91 = arith.constant 2 : i32
    %ge3A_92 = vector.broadcast %ge3A_91 : i32 to vector<16xi32>
    %ge3A_93 = arith.cmpi sge, %iota3A_69, %ge3A_92 : vector<16xi32>
    %jit3A_94 = arith.constant 0.000000e+00 : f32
    %broadcast_in_dim3A_95 = vector.broadcast %jit3A_94 : f32 to vector<16xf32>
    %select_n3A_96 = arith.select %ge3A_93, %gather3A_90, %broadcast_in_dim3A_95 : vector<16xi1>, vector<16xf32>
    %add3A_97 = arith.addf %add3A_81, %select_n3A_96 : vector<16xf32>
    %swap3A_98 = arith.constant 0 : index
    %swap3A_99 = tpu.vector_load %arg12[%swap3A_98] {strides = array<i32>} : memref<16xf32, #tpu.memory_space<vmem>>, vector<16xf32>,
    tpu.vector_store %arg12[%swap3A_98], %add3A_97 {strides = array<i32>} : memref<16xf32, #tpu.memory_space<vmem>>, vector<16xf32>,
    %sub3A_100 = arith.constant 4 : i32
    %sub3A_101 = vector.broadcast %sub3A_100 : i32 to vector<16xi32>
    %sub3A_102 = arith.subi %iota3A_69, %sub3A_101 : vector<16xi32>
    %max3A_103 = arith.constant 0 : i32
    %max3A_104 = vector.broadcast %max3A_103 : i32 to vector<16xi32>
    %max3A_105 = arith.maxsi %sub3A_102, %max3A_104 : vector<16xi32>
    %gather3A_106 = tpu.vector_load_idx %arg12[%max3A_105] : memref<16xf32, #tpu.memory_space<vmem>>[vector<16xi32>], vector<16xf32>,
    %ge3A_107 = arith.constant 4 : i32
    %ge3A_108 = vector.broadcast %ge3A_107 : i32 to vector<16xi32>
    %ge3A_109 = arith.cmpi sge, %iota3A_69, %ge3A_108 : vector<16xi32>
    %jit3A_110 = arith.constant 0.000000e+00 : f32
    %broadcast_in_dim3A_111 = vector.broadcast %jit3A_110 : f32 to vector<16xf32>
    %select_n3A_112 = arith.select %ge3A_109, %gather3A_106, %broadcast_in_dim3A_111 : vector<16xi1>, vector<16xf32>
    %add3A_113 = arith.addf %add3A_97, %select_n3A_112 : vector<16xf32>
    %swap3A_114 = arith.constant 0 : index
    %swap3A_115 = tpu.vector_load %arg12[%swap3A_114] {strides = array<i32>} : memref<16xf32, #tpu.memory_space<vmem>>, vector<16xf32>,
    tpu.vector_store %arg12[%swap3A_114], %add3A_113 {strides = array<i32>} : memref<16xf32, #tpu.memory_space<vmem>>, vector<16xf32>,
    %sub3A_116 = arith.constant 8 : i32
    %sub3A_117 = vector.broadcast %sub3A_116 : i32 to vector<16xi32>
    %sub3A_118 = arith.subi %iota3A_69, %sub3A_117 : vector<16xi32>
    %max3A_119 = arith.constant 0 : i32
    %max3A_120 = vector.broadcast %max3A_119 : i32 to vector<16xi32>
    %max3A_121 = arith.maxsi %sub3A_118, %max3A_120 : vector<16xi32>
    %gather3A_122 = tpu.vector_load_idx %arg12[%max3A_121] : memref<16xf32, #tpu.memory_space<vmem>>[vector<16xi32>], vector<16xf32>,
    %ge3A_123 = arith.constant 8 : i32
    %ge3A_124 = vector.broadcast %ge3A_123 : i32 to vector<16xi32>
    %ge3A_125 = arith.cmpi sge, %iota3A_69, %ge3A_124 : vector<16xi32>
    %jit3A_126 = arith.constant 0.000000e+00 : f32
    %broadcast_in_dim3A_127 = vector.broadcast %jit3A_126 : f32 to vector<16xf32>
    %select_n3A_128 = arith.select %ge3A_125, %gather3A_122, %broadcast_in_dim3A_127 : vector<16xi1>, vector<16xf32>
    %add3A_129 = arith.addf %add3A_113, %select_n3A_128 : vector<16xf32>
    %iota3A_130 = tpu.iota {dimensions = array<i32: 0>} : vector<16xi32>
    %swap3A_131 = arith.constant 0 : index
    %swap3A_132 = tpu.vector_load %arg12[%swap3A_131] {strides = array<i32>} : memref<16xf32, #tpu.memory_space<vmem>>, vector<16xf32>,
    tpu.vector_store %arg12[%swap3A_131], %mul3A_63 {strides = array<i32>} : memref<16xf32, #tpu.memory_space<vmem>>, vector<16xf32>,
    %xor3A_133 = arith.constant 8 : i32
    %xor3A_134 = vector.broadcast %xor3A_133 : i32 to vector<16xi32>
    %xor3A_135 = arith.xori %iota3A_130, %xor3A_134 : vector<16xi32>
    %gather3A_136 = tpu.vector_load_idx %arg12[%xor3A_135] : memref<16xf32, #tpu.memory_space<vmem>>[vector<16xi32>], vector<16xf32>,
    %add3A_137 = arith.addf %mul3A_63, %gather3A_136 : vector<16xf32>
    %swap3A_138 = arith.constant 0 : index
    %swap3A_139 = tpu.vector_load %arg12[%swap3A_138] {strides = array<i32>} : memref<16xf32, #tpu.memory_space<vmem>>, vector<16xf32>,
    tpu.vector_store %arg12[%swap3A_138], %add3A_137 {strides = array<i32>} : memref<16xf32, #tpu.memory_space<vmem>>, vector<16xf32>,
    %xor3A_140 = arith.constant 4 : i32
    %xor3A_141 = vector.broadcast %xor3A_140 : i32 to vector<16xi32>
    %xor3A_142 = arith.xori %iota3A_130, %xor3A_141 : vector<16xi32>
    %gather3A_143 = tpu.vector_load_idx %arg12[%xor3A_142] : memref<16xf32, #tpu.memory_space<vmem>>[vector<16xi32>], vector<16xf32>,
    %add3A_144 = arith.addf %add3A_137, %gather3A_143 : vector<16xf32>
    %swap3A_145 = arith.constant 0 : index
    %swap3A_146 = tpu.vector_load %arg12[%swap3A_145] {strides = array<i32>} : memref<16xf32, #tpu.memory_space<vmem>>, vector<16xf32>,
    tpu.vector_store %arg12[%swap3A_145], %add3A_144 {strides = array<i32>} : memref<16xf32, #tpu.memory_space<vmem>>, vector<16xf32>,
    %xor3A_147 = arith.constant 2 : i32
    %xor3A_148 = vector.broadcast %xor3A_147 : i32 to vector<16xi32>
    %xor3A_149 = arith.xori %iota3A_130, %xor3A_148 : vector<16xi32>
    %gather3A_150 = tpu.vector_load_idx %arg12[%xor3A_149] : memref<16xf32, #tpu.memory_space<vmem>>[vector<16xi32>], vector<16xf32>,
    %add3A_151 = arith.addf %add3A_144, %gather3A_150 : vector<16xf32>
    %swap3A_152 = arith.constant 0 : index
    %swap3A_153 = tpu.vector_load %arg12[%swap3A_152] {strides = array<i32>} : memref<16xf32, #tpu.memory_space<vmem>>, vector<16xf32>,
    tpu.vector_store %arg12[%swap3A_152], %add3A_151 {strides = array<i32>} : memref<16xf32, #tpu.memory_space<vmem>>, vector<16xf32>,
    %xor3A_154 = arith.constant 1 : i32
    %xor3A_155 = vector.broadcast %xor3A_154 : i32 to vector<16xi32>
    %xor3A_156 = arith.xori %iota3A_130, %xor3A_155 : vector<16xi32>
    %gather3A_157 = tpu.vector_load_idx %arg12[%xor3A_156] : memref<16xf32, #tpu.memory_space<vmem>>[vector<16xi32>], vector<16xf32>,
    %add3A_158 = arith.addf %add3A_151, %gather3A_157 : vector<16xf32>
    %iota3A_159 = tpu.iota {dimensions = array<i32: 0>} : vector<16xi32>
    %swap3A_160 = arith.constant 0 : index
    %swap3A_161 = tpu.vector_load %arg12[%swap3A_160] {strides = array<i32>} : memref<16xf32, #tpu.memory_space<vmem>>, vector<16xf32>,
    tpu.vector_store %arg12[%swap3A_160], %mul3A_64 {strides = array<i32>} : memref<16xf32, #tpu.memory_space<vmem>>, vector<16xf32>,
    %sub3A_162 = arith.constant 1 : i32
    %sub3A_163 = vector.broadcast %sub3A_162 : i32 to vector<16xi32>
    %sub3A_164 = arith.subi %iota3A_159, %sub3A_163 : vector<16xi32>
    %max3A_165 = arith.constant 0 : i32
    %max3A_166 = vector.broadcast %max3A_165 : i32 to vector<16xi32>
    %max3A_167 = arith.maxsi %sub3A_164, %max3A_166 : vector<16xi32>
    %gather3A_168 = tpu.vector_load_idx %arg12[%max3A_167] : memref<16xf32, #tpu.memory_space<vmem>>[vector<16xi32>], vector<16xf32>,
    %ge3A_169 = arith.constant 1 : i32
    %ge3A_170 = vector.broadcast %ge3A_169 : i32 to vector<16xi32>
    %ge3A_171 = arith.cmpi sge, %iota3A_159, %ge3A_170 : vector<16xi32>
    %jit3A_172 = arith.constant 0.000000e+00 : f32
    %broadcast_in_dim3A_173 = vector.broadcast %jit3A_172 : f32 to vector<16xf32>
    %select_n3A_174 = arith.select %ge3A_171, %gather3A_168, %broadcast_in_dim3A_173 : vector<16xi1>, vector<16xf32>
    %add3A_175 = arith.addf %mul3A_64, %select_n3A_174 : vector<16xf32>
    %swap3A_176 = arith.constant 0 : index
    %swap3A_177 = tpu.vector_load %arg12[%swap3A_176] {strides = array<i32>} : memref<16xf32, #tpu.memory_space<vmem>>, vector<16xf32>,
    tpu.vector_store %arg12[%swap3A_176], %add3A_175 {strides = array<i32>} : memref<16xf32, #tpu.memory_space<vmem>>, vector<16xf32>,
    %sub3A_178 = arith.constant 2 : i32
    %sub3A_179 = vector.broadcast %sub3A_178 : i32 to vector<16xi32>
    %sub3A_180 = arith.subi %iota3A_159, %sub3A_179 : vector<16xi32>
    %max3A_181 = arith.constant 0 : i32
    %max3A_182 = vector.broadcast %max3A_181 : i32 to vector<16xi32>
    %max3A_183 = arith.maxsi %sub3A_180, %max3A_182 : vector<16xi32>
    %gather3A_184 = tpu.vector_load_idx %arg12[%max3A_183] : memref<16xf32, #tpu.memory_space<vmem>>[vector<16xi32>], vector<16xf32>,
    %ge3A_185 = arith.constant 2 : i32
    %ge3A_186 = vector.broadcast %ge3A_185 : i32 to vector<16xi32>
    %ge3A_187 = arith.cmpi sge, %iota3A_159, %ge3A_186 : vector<16xi32>
    %jit3A_188 = arith.constant 0.000000e+00 : f32
    %broadcast_in_dim3A_189 = vector.broadcast %jit3A_188 : f32 to vector<16xf32>
    %select_n3A_190 = arith.select %ge3A_187, %gather3A_184, %broadcast_in_dim3A_189 : vector<16xi1>, vector<16xf32>
    %add3A_191 = arith.addf %add3A_175, %select_n3A_190 : vector<16xf32>
    %swap3A_192 = arith.constant 0 : index
    %swap3A_193 = tpu.vector_load %arg12[%swap3A_192] {strides = array<i32>} : memref<16xf32, #tpu.memory_space<vmem>>, vector<16xf32>,
    tpu.vector_store %arg12[%swap3A_192], %add3A_191 {strides = array<i32>} : memref<16xf32, #tpu.memory_space<vmem>>, vector<16xf32>,
    %sub3A_194 = arith.constant 4 : i32
    %sub3A_195 = vector.broadcast %sub3A_194 : i32 to vector<16xi32>
    %sub3A_196 = arith.subi %iota3A_159, %sub3A_195 : vector<16xi32>
    %max3A_197 = arith.constant 0 : i32
    %max3A_198 = vector.broadcast %max3A_197 : i32 to vector<16xi32>
    %max3A_199 = arith.maxsi %sub3A_196, %max3A_198 : vector<16xi32>
    %gather3A_200 = tpu.vector_load_idx %arg12[%max3A_199] : memref<16xf32, #tpu.memory_space<vmem>>[vector<16xi32>], vector<16xf32>,
    %ge3A_201 = arith.constant 4 : i32
    %ge3A_202 = vector.broadcast %ge3A_201 : i32 to vector<16xi32>
    %ge3A_203 = arith.cmpi sge, %iota3A_159, %ge3A_202 : vector<16xi32>
    %jit3A_204 = arith.constant 0.000000e+00 : f32
    %broadcast_in_dim3A_205 = vector.broadcast %jit3A_204 : f32 to vector<16xf32>
    %select_n3A_206 = arith.select %ge3A_203, %gather3A_200, %broadcast_in_dim3A_205 : vector<16xi1>, vector<16xf32>
    %add3A_207 = arith.addf %add3A_191, %select_n3A_206 : vector<16xf32>
    %swap3A_208 = arith.constant 0 : index
    %swap3A_209 = tpu.vector_load %arg12[%swap3A_208] {strides = array<i32>} : memref<16xf32, #tpu.memory_space<vmem>>, vector<16xf32>,
    tpu.vector_store %arg12[%swap3A_208], %add3A_207 {strides = array<i32>} : memref<16xf32, #tpu.memory_space<vmem>>, vector<16xf32>,
    %sub3A_210 = arith.constant 8 : i32
    %sub3A_211 = vector.broadcast %sub3A_210 : i32 to vector<16xi32>
    %sub3A_212 = arith.subi %iota3A_159, %sub3A_211 : vector<16xi32>
    %max3A_213 = arith.constant 0 : i32
    %max3A_214 = vector.broadcast %max3A_213 : i32 to vector<16xi32>
    %max3A_215 = arith.maxsi %sub3A_212, %max3A_214 : vector<16xi32>
    %gather3A_216 = tpu.vector_load_idx %arg12[%max3A_215] : memref<16xf32, #tpu.memory_space<vmem>>[vector<16xi32>], vector<16xf32>,
    %ge3A_217 = arith.constant 8 : i32
    %ge3A_218 = vector.broadcast %ge3A_217 : i32 to vector<16xi32>
    %ge3A_219 = arith.cmpi sge, %iota3A_159, %ge3A_218 : vector<16xi32>
    %jit3A_220 = arith.constant 0.000000e+00 : f32
    %broadcast_in_dim3A_221 = vector.broadcast %jit3A_220 : f32 to vector<16xf32>
    %select_n3A_222 = arith.select %ge3A_219, %gather3A_216, %broadcast_in_dim3A_221 : vector<16xi1>, vector<16xf32>
    %add3A_223 = arith.addf %add3A_207, %select_n3A_222 : vector<16xf32>
    %add3A_224 = arith.addf %add3A_223, %add3A_158 : vector<16xf32>
    %swap3A_225 = arith.constant 0 : index
    %swap3A_226 = tpu.vector_load %arg11[%swap3A_225] {strides = array<i32>} : memref<32xf32, #tpu.memory_space<vmem>>, vector<16xf32>,
    tpu.vector_store %arg11[%swap3A_225], %add3A_129 {strides = array<i32>} : memref<32xf32, #tpu.memory_space<vmem>>, vector<16xf32>,
    %swap3A_227 = arith.constant 16 : index
    %swap3A_228 = tpu.vector_load %arg11[%swap3A_227] {strides = array<i32>} : memref<32xf32, #tpu.memory_space<vmem>>, vector<16xf32>,
    tpu.vector_store %arg11[%swap3A_227], %add3A_224 {strides = array<i32>} : memref<32xf32, #tpu.memory_space<vmem>>, vector<16xf32>,
    %eq3A = arith.constant 0 : i32
    %eq3A_229 = arith.cmpi eq, %add3A, %eq3A : i32
    %convert_element_type3A = arith.extui %eq3A_229 : i1 to i32
    %cond3A = arith.constant 0 : i32
    %cond3A_230 = arith.cmpi ne, %convert_element_type3A, %cond3A : i32
    scf.if %cond3A_230 {
      "tpu.region"() ({
        %run_scoped3A = tpu.sem_alloc : memref<!tpu.dma_semaphore, #tpu.memory_space<semaphore_mem>>
        tpu.enqueue_dma source(%arg10 : memref<32xf32, #tpu.memory_space<vmem>>) target(%arg5 : memref<32xf32, #tpu.memory_space<hbm>>) target_semaphore(%run_scoped3A : memref<!tpu.dma_semaphore, #tpu.memory_space<semaphore_mem>>)
        tpu.wait_dma2 semaphore(%run_scoped3A : memref<!tpu.dma_semaphore, #tpu.memory_space<semaphore_mem>>) src(%arg10 : memref<32xf32, #tpu.memory_space<vmem>>) dst(%arg5 : memref<32xf32, #tpu.memory_space<hbm>>)
        tpu.yield
      }) : () -> ()
    } else {
    }
    %scan3A = arith.constant 0 : i32
    %scan3A_231 = arith.constant 0 : i32
    %scan3A_232 = arith.constant 32 : i32
    %scan3A_233 = arith.addi %scan3A_231, %scan3A_232 : i32
    %scan3A_234 = arith.constant 1 : i32
    %scan3A_235 = scf.for %scan3A_237 = %scan3A_231 to %scan3A_233 step %scan3A_234 iter_args(%scan3A_238 = %scan3A) -> (i32)  : i32 {
      %mul3A_239 = arith.constant 262144 : i32
      %mul3A_240 = arith.muli %add3A, %mul3A_239 : i32
      %mul3A_241 = arith.constant 8192 : i32
      %mul3A_242 = arith.muli %scan3A_237, %mul3A_241 : i32
      %add3A_243 = arith.addi %mul3A_240, %mul3A_242 : i32
      "tpu.region"() ({
        %run_scoped3A = tpu.sem_alloc : memref<!tpu.dma_semaphore, #tpu.memory_space<semaphore_mem>>
        %dma_start3A = tpu.memref_slice %arg2[%add3A_243] : memref<8388608xf32, #tpu.memory_space<hbm>> -> memref<8192xf32, #tpu.memory_space<hbm>>
        %dma_start3A_252 = tpu.memref_slice %arg2[%add3A_243] : memref<8388608xf32, #tpu.memory_space<hbm>> -> memref<8192xf32, #tpu.memory_space<hbm>>
        tpu.enqueue_dma source(%dma_start3A_252 : memref<8192xf32, #tpu.memory_space<hbm>>) target(%arg13 : memref<8192xf32, #tpu.memory_space<vmem>>) target_semaphore(%run_scoped3A : memref<!tpu.dma_semaphore, #tpu.memory_space<semaphore_mem>>)
        %dma_wait3A = tpu.memref_slice %arg2[%add3A_243] : memref<8388608xf32, #tpu.memory_space<hbm>> -> memref<8192xf32, #tpu.memory_space<hbm>>
        %dma_wait3A_253 = tpu.memref_slice %arg2[%add3A_243] : memref<8388608xf32, #tpu.memory_space<hbm>> -> memref<8192xf32, #tpu.memory_space<hbm>>
        tpu.wait_dma2 semaphore(%run_scoped3A : memref<!tpu.dma_semaphore, #tpu.memory_space<semaphore_mem>>) src(%dma_wait3A_253 : memref<8192xf32, #tpu.memory_space<hbm>>) dst(%arg13 : memref<8192xf32, #tpu.memory_space<vmem>>)
        tpu.yield
      }) : () -> ()
      %scan3A_244 = arith.constant 0 : i32
      %scan3A_245 = arith.constant 0 : i32
      %scan3A_246 = arith.constant 512 : i32
      %scan3A_247 = arith.addi %scan3A_245, %scan3A_246 : i32
      %scan3A_248 = arith.constant 1 : i32
      %scan3A_249 = scf.for %scan3A_252 = %scan3A_245 to %scan3A_247 step %scan3A_248 iter_args(%scan3A_253 = %scan3A_244) -> (i32)  : i32 {
        %mul3A_254 = arith.constant 16 : i32
        %mul3A_255 = arith.muli %scan3A_252, %mul3A_254 : i32
        %get3A_256 = arith.index_cast %mul3A_255 : i32 to index
        %get3A_257 = tpu.vector_load %arg13[%get3A_256] {strides = array<i32>} : memref<8192xf32, #tpu.memory_space<vmem>>, vector<16xf32>,
        %broadcast_in_dim3A_258 = arith.constant 0 : i32
        %broadcast_in_dim3A_259 = vector.broadcast %broadcast_in_dim3A_258 : i32 to vector<16xi32>
        %add3A_260 = arith.constant 15 : i32
        %add3A_261 = vector.broadcast %add3A_260 : i32 to vector<16xi32>
        %add3A_262 = arith.addi %broadcast_in_dim3A_259, %add3A_261 : vector<16xi32>
        %gather3A_263 = tpu.vector_load_idx %arg11[%add3A_262] : memref<32xf32, #tpu.memory_space<vmem>>[vector<16xi32>], vector<16xf32>,
        %lt3A = arith.cmpf olt, %gather3A_263, %get3A_257 : vector<16xf32>
        %jit3A_264 = arith.constant 16 : i32
        %jit3A_265 = arith.constant 0 : i32
        %broadcast_in_dim3A_266 = vector.broadcast %jit3A_264 : i32 to vector<16xi32>
        %broadcast_in_dim3A_267 = vector.broadcast %jit3A_265 : i32 to vector<16xi32>
        %select_n3A_268 = arith.select %lt3A, %broadcast_in_dim3A_266, %broadcast_in_dim3A_267 : vector<16xi1>, vector<16xi32>
        %add3A_269 = arith.addi %broadcast_in_dim3A_259, %select_n3A_268 : vector<16xi32>
        %add3A_270 = arith.constant 7 : i32
        %add3A_271 = vector.broadcast %add3A_270 : i32 to vector<16xi32>
        %add3A_272 = arith.addi %add3A_269, %add3A_271 : vector<16xi32>
        %gather3A_273 = tpu.vector_load_idx %arg11[%add3A_272] : memref<32xf32, #tpu.memory_space<vmem>>[vector<16xi32>], vector<16xf32>,
        %lt3A_274 = arith.cmpf olt, %gather3A_273, %get3A_257 : vector<16xf32>
        %jit3A_275 = arith.constant 8 : i32
        %jit3A_276 = arith.constant 0 : i32
        %broadcast_in_dim3A_277 = vector.broadcast %jit3A_275 : i32 to vector<16xi32>
        %broadcast_in_dim3A_278 = vector.broadcast %jit3A_276 : i32 to vector<16xi32>
        %select_n3A_279 = arith.select %lt3A_274, %broadcast_in_dim3A_277, %broadcast_in_dim3A_278 : vector<16xi1>, vector<16xi32>
        %add3A_280 = arith.addi %add3A_269, %select_n3A_279 : vector<16xi32>
        %add3A_281 = arith.constant 3 : i32
        %add3A_282 = vector.broadcast %add3A_281 : i32 to vector<16xi32>
        %add3A_283 = arith.addi %add3A_280, %add3A_282 : vector<16xi32>
        %gather3A_284 = tpu.vector_load_idx %arg11[%add3A_283] : memref<32xf32, #tpu.memory_space<vmem>>[vector<16xi32>], vector<16xf32>,
        %lt3A_285 = arith.cmpf olt, %gather3A_284, %get3A_257 : vector<16xf32>
        %jit3A_286 = arith.constant 4 : i32
        %jit3A_287 = arith.constant 0 : i32
        %broadcast_in_dim3A_288 = vector.broadcast %jit3A_286 : i32 to vector<16xi32>
        %broadcast_in_dim3A_289 = vector.broadcast %jit3A_287 : i32 to vector<16xi32>
        %select_n3A_290 = arith.select %lt3A_285, %broadcast_in_dim3A_288, %broadcast_in_dim3A_289 : vector<16xi1>, vector<16xi32>
        %add3A_291 = arith.addi %add3A_280, %select_n3A_290 : vector<16xi32>
        %add3A_292 = arith.constant 1 : i32
        %add3A_293 = vector.broadcast %add3A_292 : i32 to vector<16xi32>
        %add3A_294 = arith.addi %add3A_291, %add3A_293 : vector<16xi32>
        %gather3A_295 = tpu.vector_load_idx %arg11[%add3A_294] : memref<32xf32, #tpu.memory_space<vmem>>[vector<16xi32>], vector<16xf32>,
        %lt3A_296 = arith.cmpf olt, %gather3A_295, %get3A_257 : vector<16xf32>
        %jit3A_297 = arith.constant 2 : i32
        %jit3A_298 = arith.constant 0 : i32
        %broadcast_in_dim3A_299 = vector.broadcast %jit3A_297 : i32 to vector<16xi32>
        %broadcast_in_dim3A_300 = vector.broadcast %jit3A_298 : i32 to vector<16xi32>
        %select_n3A_301 = arith.select %lt3A_296, %broadcast_in_dim3A_299, %broadcast_in_dim3A_300 : vector<16xi1>, vector<16xi32>
        %add3A_302 = arith.addi %add3A_291, %select_n3A_301 : vector<16xi32>
        %add3A_303 = arith.constant 0 : i32
        %add3A_304 = vector.broadcast %add3A_303 : i32 to vector<16xi32>
        %add3A_305 = arith.addi %add3A_302, %add3A_304 : vector<16xi32>
        %gather3A_306 = tpu.vector_load_idx %arg11[%add3A_305] : memref<32xf32, #tpu.memory_space<vmem>>[vector<16xi32>], vector<16xf32>,
        %lt3A_307 = arith.cmpf olt, %gather3A_306, %get3A_257 : vector<16xf32>
        %jit3A_308 = arith.constant 1 : i32
        %jit3A_309 = arith.constant 0 : i32
        %broadcast_in_dim3A_310 = vector.broadcast %jit3A_308 : i32 to vector<16xi32>
        %broadcast_in_dim3A_311 = vector.broadcast %jit3A_309 : i32 to vector<16xi32>
        %select_n3A_312 = arith.select %lt3A_307, %broadcast_in_dim3A_310, %broadcast_in_dim3A_311 : vector<16xi1>, vector<16xi32>
        %add3A_313 = arith.addi %add3A_302, %select_n3A_312 : vector<16xi32>
        %min3A = arith.constant 31 : i32
        %min3A_314 = vector.broadcast %min3A : i32 to vector<16xi32>
        %min3A_315 = arith.minsi %add3A_313, %min3A_314 : vector<16xi32>
        %gather3A_316 = tpu.vector_load_idx %arg11[%min3A_315] : memref<32xf32, #tpu.memory_space<vmem>>[vector<16xi32>], vector<16xf32>,
        %gather3A_317 = tpu.vector_load_idx %arg10[%min3A_315] : memref<32xf32, #tpu.memory_space<vmem>>[vector<16xi32>], vector<16xf32>,
        %swap3A_318 = arith.index_cast %mul3A_255 : i32 to index
        %swap3A_319 = tpu.vector_load %arg14[%swap3A_318] {strides = array<i32>} : memref<8192xi32, #tpu.memory_space<vmem>>, vector<16xi32>,
        tpu.vector_store %arg14[%swap3A_318], %min3A_315 {strides = array<i32>} : memref<8192xi32, #tpu.memory_space<vmem>>, vector<16xi32>,
        %swap3A_320 = arith.index_cast %mul3A_255 : i32 to index
        %swap3A_321 = tpu.vector_load %arg15[%swap3A_320] {strides = array<i32>} : memref<8192xf32, #tpu.memory_space<vmem>>, vector<16xf32>,
        tpu.vector_store %arg15[%swap3A_320], %gather3A_317 {strides = array<i32>} : memref<8192xf32, #tpu.memory_space<vmem>>, vector<16xf32>,
        %sub3A_322 = arith.subf %gather3A_316, %gather3A_317 : vector<16xf32>
        %swap3A_323 = arith.index_cast %mul3A_255 : i32 to index
        %swap3A_324 = tpu.vector_load %arg16[%swap3A_323] {strides = array<i32>} : memref<8192xf32, #tpu.memory_space<vmem>>, vector<16xf32>,
        tpu.vector_store %arg16[%swap3A_323], %sub3A_322 {strides = array<i32>} : memref<8192xf32, #tpu.memory_space<vmem>>, vector<16xf32>,
        %swap3A_325 = arith.index_cast %mul3A_255 : i32 to index
        %swap3A_326 = tpu.vector_load %arg17[%swap3A_325] {strides = array<i32>} : memref<8192xf32, #tpu.memory_space<vmem>>, vector<16xf32>,
        tpu.vector_store %arg17[%swap3A_325], %gather3A_316 {strides = array<i32>} : memref<8192xf32, #tpu.memory_space<vmem>>, vector<16xf32>,
        %scan3A_327 = arith.constant 0 : i32
        scf.yield %scan3A_327 : i32
      }
      %scan3A_250 = arith.constant 512 : i32
      "tpu.region"() ({
        %run_scoped3A = tpu.sem_alloc : memref<!tpu.dma_semaphore, #tpu.memory_space<semaphore_mem>>
        %dma_start3A = tpu.memref_slice %arg4[%add3A_243] : memref<8388608xi32, #tpu.memory_space<hbm>> -> memref<8192xi32, #tpu.memory_space<hbm>>
        %dma_start3A_252 = tpu.memref_slice %arg4[%add3A_243] : memref<8388608xi32, #tpu.memory_space<hbm>> -> memref<8192xi32, #tpu.memory_space<hbm>>
        tpu.enqueue_dma source(%arg14 : memref<8192xi32, #tpu.memory_space<vmem>>) target(%dma_start3A_252 : memref<8192xi32, #tpu.memory_space<hbm>>) target_semaphore(%run_scoped3A : memref<!tpu.dma_semaphore, #tpu.memory_space<semaphore_mem>>)
        %dma_wait3A = tpu.memref_slice %arg4[%add3A_243] : memref<8388608xi32, #tpu.memory_space<hbm>> -> memref<8192xi32, #tpu.memory_space<hbm>>
        %dma_wait3A_253 = tpu.memref_slice %arg4[%add3A_243] : memref<8388608xi32, #tpu.memory_space<hbm>> -> memref<8192xi32, #tpu.memory_space<hbm>>
        tpu.wait_dma2 semaphore(%run_scoped3A : memref<!tpu.dma_semaphore, #tpu.memory_space<semaphore_mem>>) src(%arg14 : memref<8192xi32, #tpu.memory_space<vmem>>) dst(%dma_wait3A_253 : memref<8192xi32, #tpu.memory_space<hbm>>)
        tpu.yield
      }) : () -> ()
      "tpu.region"() ({
        %run_scoped3A = tpu.sem_alloc : memref<!tpu.dma_semaphore, #tpu.memory_space<semaphore_mem>>
        %dma_start3A = tpu.memref_slice %arg6[%add3A_243] : memref<8388608xf32, #tpu.memory_space<hbm>> -> memref<8192xf32, #tpu.memory_space<hbm>>
        %dma_start3A_252 = tpu.memref_slice %arg6[%add3A_243] : memref<8388608xf32, #tpu.memory_space<hbm>> -> memref<8192xf32, #tpu.memory_space<hbm>>
        tpu.enqueue_dma source(%arg15 : memref<8192xf32, #tpu.memory_space<vmem>>) target(%dma_start3A_252 : memref<8192xf32, #tpu.memory_space<hbm>>) target_semaphore(%run_scoped3A : memref<!tpu.dma_semaphore, #tpu.memory_space<semaphore_mem>>)
        %dma_wait3A = tpu.memref_slice %arg6[%add3A_243] : memref<8388608xf32, #tpu.memory_space<hbm>> -> memref<8192xf32, #tpu.memory_space<hbm>>
        %dma_wait3A_253 = tpu.memref_slice %arg6[%add3A_243] : memref<8388608xf32, #tpu.memory_space<hbm>> -> memref<8192xf32, #tpu.memory_space<hbm>>
        tpu.wait_dma2 semaphore(%run_scoped3A : memref<!tpu.dma_semaphore, #tpu.memory_space<semaphore_mem>>) src(%arg15 : memref<8192xf32, #tpu.memory_space<vmem>>) dst(%dma_wait3A_253 : memref<8192xf32, #tpu.memory_space<hbm>>)
        tpu.yield
      }) : () -> ()
      "tpu.region"() ({
        %run_scoped3A = tpu.sem_alloc : memref<!tpu.dma_semaphore, #tpu.memory_space<semaphore_mem>>
        %dma_start3A = tpu.memref_slice %arg7[%add3A_243] : memref<8388608xf32, #tpu.memory_space<hbm>> -> memref<8192xf32, #tpu.memory_space<hbm>>
        %dma_start3A_252 = tpu.memref_slice %arg7[%add3A_243] : memref<8388608xf32, #tpu.memory_space<hbm>> -> memref<8192xf32, #tpu.memory_space<hbm>>
        tpu.enqueue_dma source(%arg16 : memref<8192xf32, #tpu.memory_space<vmem>>) target(%dma_start3A_252 : memref<8192xf32, #tpu.memory_space<hbm>>) target_semaphore(%run_scoped3A : memref<!tpu.dma_semaphore, #tpu.memory_space<semaphore_mem>>)
        %dma_wait3A = tpu.memref_slice %arg7[%add3A_243] : memref<8388608xf32, #tpu.memory_space<hbm>> -> memref<8192xf32, #tpu.memory_space<hbm>>
        %dma_wait3A_253 = tpu.memref_slice %arg7[%add3A_243] : memref<8388608xf32, #tpu.memory_space<hbm>> -> memref<8192xf32, #tpu.memory_space<hbm>>
        tpu.wait_dma2 semaphore(%run_scoped3A : memref<!tpu.dma_semaphore, #tpu.memory_space<semaphore_mem>>) src(%arg16 : memref<8192xf32, #tpu.memory_space<vmem>>) dst(%dma_wait3A_253 : memref<8192xf32, #tpu.memory_space<hbm>>)
        tpu.yield
      }) : () -> ()
      "tpu.region"() ({
        %run_scoped3A = tpu.sem_alloc : memref<!tpu.dma_semaphore, #tpu.memory_space<semaphore_mem>>
        %dma_start3A = tpu.memref_slice %arg8[%add3A_243] : memref<8388608xf32, #tpu.memory_space<hbm>> -> memref<8192xf32, #tpu.memory_space<hbm>>
        %dma_start3A_252 = tpu.memref_slice %arg8[%add3A_243] : memref<8388608xf32, #tpu.memory_space<hbm>> -> memref<8192xf32, #tpu.memory_space<hbm>>
        tpu.enqueue_dma source(%arg17 : memref<8192xf32, #tpu.memory_space<vmem>>) target(%dma_start3A_252 : memref<8192xf32, #tpu.memory_space<hbm>>) target_semaphore(%run_scoped3A : memref<!tpu.dma_semaphore, #tpu.memory_space<semaphore_mem>>)
        %dma_wait3A = tpu.memref_slice %arg8[%add3A_243] : memref<8388608xf32, #tpu.memory_space<hbm>> -> memref<8192xf32, #tpu.memory_space<hbm>>
        %dma_wait3A_253 = tpu.memref_slice %arg8[%add3A_243] : memref<8388608xf32, #tpu.memory_space<hbm>> -> memref<8192xf32, #tpu.memory_space<hbm>>
        tpu.wait_dma2 semaphore(%run_scoped3A : memref<!tpu.dma_semaphore, #tpu.memory_space<semaphore_mem>>) src(%arg17 : memref<8192xf32, #tpu.memory_space<vmem>>) dst(%dma_wait3A_253 : memref<8192xf32, #tpu.memory_space<hbm>>)
        tpu.yield
      }) : () -> ()
      %scan3A_251 = arith.constant 0 : i32
      scf.yield %scan3A_251 : i32
    }
    %scan3A_236 = arith.constant 32 : i32
    return
  }
}

</mosaic_0001>

<sc_bundles>
// kernel: kernel.3.cloned.1.call-start
scs
__scs_entry_jumppad:
0x0: {  	(pc) =	sbr.rel $0x88, $3  }
0x1: {  	(tag) =	ssettag $0x0;
	lr =	simm.s32 $0x1  }
0x2: {  	[smem:$0x3F9E] =	sst lr;
	_ =	strace $0xD0000000  }
0x3: {  	_ = 	snop  }
0x4: {  	_ = 	snop  }
0x5: {  	_ = 	snop  }
0x6: {  	_ = 	snop  }
0x7: {  	_ = 	snop  }
__scs_overlays_trampoline_lowered:
0x8: {  	[smem:$0x3FAD] =	sst s0  }
0x9: {  	[smem:$0x3FAE] =	sst s1  }
0xa: {  	[smem:$0x3FAF] =	sst s2  }
0xb: {  	[smem:$0x3FB0] =	sst s3  }
0xc: {  	[smem:$0x3FB1] =	sst s4  }
0xd: {  	[smem:$0x3FB2] =	sst s5  }
0xe: {  	[smem:$0x3FB3] =	sst s6  }
0xf: {  	[smem:$0x3FB4] =	sst s7  }
0x10: {  	[smem:$0x3FB5] =	sst s8  }
0x11: {  	[smem:$0x3FB6] =	sst s9;
	s0 =	simm.s32 @!p0 $0x0  }
0x12: {  	s1 =	sld [smem:$0x3F9C];
	s0 =	simm.s32 @p0 $0x1  }
0x13: {  	[smem:$0x3FB7] =	sst s0;
	s0 =	simm.s32 @!p1 $0x0  }
0x14: {  	s2 =	sld [smem:$0x3F9B];
	s0 =	simm.s32 @p1 $0x1  }
0x15: {  	[smem:$0x3FB8] =	sst s0;
	s0 =	simm.s32 @!p2 $0x0  }
0x16: {  	s3 =	sld [smem:$0x3FDB];
	s0 =	simm.s32 @p2 $0x1  }
0x17: {  	s4 =	simm.s32 $0x1BF5;
	[smem:$0x3FBA] =	sst s0  }
0x18: {  	s0 =	sld [smem:$0x3F9D];
	_ =	swait.ge [sflag:s4], $0x0  }
0x19: {  	s7 =	sld [smem:$0x3F9E]  }
0x1a: {  	s8 =	sadd.s32 $0xFFFFE003, lr  }
0x1b: {  	s9 =	sadd.s32 $0xFFFFFEF7, lr;
	s5 =	simm.s32 $0xFFFFFFFF;
	p2 =	slt.u32 s8, $0xFFFFF086  }
0x1c: {  	p1 =	slt.u32 s9, $0xF7A;
	s5 =	simm.s32 @!p2 $0x0  }
0x1d: {  	s5 =	simm.s32 @p1 $0x1;
	p0 =	seq.s32 s7, s2  }
0x1e: {  	s7 =	smul.u32 @!p0 $0xF7A, s2;
	p2 =	seq.s32 @!p0 s5, $0x0  }
0x1f: {  	s9 =	smul.u32 $0xF7A, s1;
	s8 =	simm.s32 @!p0 $0x1BF5;
	p2 =	por !p2, p0  }
0x20: {  	[sflag:s8] =	ssyncset.s32 @!p0 $0xFFFFF086;
	s6 =	sadd.s32 @!p0 s3, s7;
	s7 =	simm.s32 @!p0 $0x108  }
0x21: {  	s3 =	sadd.s32 s3, s9;
	s6 =	sadd.s32 @!p0 $0x88, s6;
	s7 =	simm.s32 @p2 $0x1082  }
0x22: {  	[simem:s7], [sflag:s8] =	dma.local @!p0 [hbm:s6], $0xF7A  }
0x23: {  	s9 =	sor.u32 $0xD0000000, s2;
	s6 =	simm.s32 $0x108;
	_ =	swait.ge @!p0 [sflag:s8], $0x0  }
0x24: {  	s3 =	sadd.s32 $0x88, s3;
	s6 =	simm.s32 @!p1 $0x1082;
	[sflag:s4] =	ssyncset.s32 $0xFFFFF086  }
0x25: {  	[simem:s6], [sflag:s4] =	dma.local [hbm:s3], $0xF7A  }
0x26: {  	[smem:$0x3F9E] =	sst s1;
	(tag) =	ssettag s2;
	_ =	strace s9  }
0x27: {  	s1 =	sld [smem:$0x3FAE]  }
0x28: {  	s2 =	sld [smem:$0x3FAF]  }
0x29: {  	s4 =	sld [smem:$0x3FB1]  }
0x2a: {  	p0 =	seq.s32 s5, $0x0;
	s5 =	sld [smem:$0x3FB2]  }
0x2b: {  	s6 =	sld [smem:$0x3FB3]  }
0x2c: {  	s7 =	sld [smem:$0x3FB4]  }
0x2d: {  	s3 =	simm.s32 $0x108;
	s8 =	sld [smem:$0x3FB5]  }
0x2e: {  	s3 =	simm.s32 @!p0 $0x1082;
	s9 =	sld [smem:$0x3FB6]  }
0x2f: {  	lr =	sadd.s32 s0, s3;
	s0 =	sld [smem:$0x3FAD]  }
0x30: {  	s3 =	sld [smem:$0x3FB0]  }
0x31: {  	[smem:$0x3FB9] =	sst s10  }
0x32: {  	s10 =	sld [smem:$0x3FB7];
	_ =	sdelay $0x3  }
0x33: {  	p0 =	seq.s32 s10, $0x1;
	s10 =	sld [smem:$0x3FB9];
	_ =	sdelay $0x3  }
0x34: {  	[smem:$0x3FB9] =	sst s10  }
0x35: {  	s10 =	sld [smem:$0x3FB8];
	_ =	sdelay $0x3  }
0x36: {  	p1 =	seq.s32 s10, $0x1;
	s10 =	sld [smem:$0x3FB9];
	_ =	sdelay $0x3  }
0x37: {  	[smem:$0x3FB9] =	sst s10  }
0x38: {  	s10 =	sld [smem:$0x3FBA]  }
0x39: {  	_ = 	snop;
	(pc) =	sbr.ind lr, $3  }
0x3a: {  	_ = 	snop  }
0x3b: {  	_ = 	snop  }
0x3c: {  	p2 =	seq.s32 s10, $0x1;
	s10 =	sld [smem:$0x3FB9]  }
0x3d: {  	_ =	shalt  }
0x3e: {  	_ =	shalt  }
0x3f: {  	_ =	shalt  }
0x40: {  	_ =	shalt  }
0x41: {  	_ =	shalt  }
0x42: {  	_ =	shalt  }
0x43: {  	_ =	shalt  }
0x44: {  	_ =	shalt  }
0x45: {  	_ =	shalt  }
0x46: {  	_ =	shalt  }
0x47: {  	_ =	shalt  }
0x48: {  	_ =	shalt  }
0x49: {  	_ =	shalt  }
0x4a: {  	_ =	shalt  }
0x4b: {  	_ =	shalt  }
0x4c: {  	_ =	shalt  }
0x4d: {  	_ =	shalt  }
0x4e: {  	_ =	shalt  }
0x4f: {  	_ =	shalt  }
0x50: {  	_ =	shalt  }
0x51: {  	_ =	shalt  }
0x52: {  	_ =	shalt  }
0x53: {  	_ =	shalt  }
0x54: {  	_ =	shalt  }
0x55: {  	_ =	shalt  }
0x56: {  	_ =	shalt  }
0x57: {  	_ =	shalt  }
0x58: {  	_ =	shalt  }
0x59: {  	_ =	shalt  }
0x5a: {  	_ =	shalt  }
0x5b: {  	_ =	shalt  }
0x5c: {  	_ =	shalt  }
0x5d: {  	_ =	shalt  }
0x5e: {  	_ =	shalt  }
0x5f: {  	_ =	shalt  }
0x60: {  	_ =	shalt  }
0x61: {  	_ =	shalt  }
0x62: {  	_ =	shalt  }
0x63: {  	_ =	shalt  }
0x64: {  	_ =	shalt  }
0x65: {  	_ =	shalt  }
0x66: {  	_ =	shalt  }
0x67: {  	_ =	shalt  }
0x68: {  	_ =	shalt  }
0x69: {  	_ =	shalt  }
0x6a: {  	_ =	shalt  }
0x6b: {  	_ =	shalt  }
0x6c: {  	_ =	shalt  }
0x6d: {  	_ =	shalt  }
0x6e: {  	_ =	shalt  }
0x6f: {  	_ =	shalt  }
0x70: {  	_ =	shalt  }
0x71: {  	_ =	shalt  }
0x72: {  	_ =	shalt  }
0x73: {  	_ =	shalt  }
0x74: {  	_ =	shalt  }
0x75: {  	_ =	shalt  }
0x76: {  	_ =	shalt  }
0x77: {  	_ =	shalt  }
0x78: {  	_ =	shalt  }
0x79: {  	_ =	shalt  }
0x7a: {  	_ =	shalt  }
0x7b: {  	_ =	shalt  }
0x7c: {  	_ =	shalt  }
0x7d: {  	_ =	shalt  }
0x7e: {  	_ =	shalt  }
0x7f: {  	_ =	shalt  }
0x80: {  	_ =	shalt  }
0x81: {  	_ =	shalt  }
0x82: {  	_ =	shalt  }
0x83: {  	_ =	shalt  }
0x84: {  	_ =	shalt  }
0x85: {  	_ =	shalt  }
0x86: {  	_ =	shalt  }
0x87: {  	_ =	shalt  }
.Lfunc_end0:
.L_simem_size_0:
called_computation_lowered:
.L_overlay_start_0:
0x88: {  	s2 =	sld [smem:$0x3FD9]  }
0x89: {  	s3 =	sld [smem:$0x3FFE];
	_ =	sdelay $0x1  }
0x8a: {  	s1 =	srdreg.scid  }
0x8b: {  	s0 =	sand.u32 $0x1, s1  }
0x8c: {  	s15 =	sshll.u32 s0, $0xA;
	s2 =	sadd.s32 s3, s2  }
0x8d: {  	s2 =	sadd.s32 s2, s15  }
0x8e: {  	[smem:$0x3FC5] =	sst s2  }
0x8f: {  	_ = 	snop  }
0x90: {  	s2 =	sld [smem:$0x3FD0];
	_ =	sdelay $0x1  }
0x91: {  	s16 =	sld [smem:$0x3FC9]  }
0x92: {  	s5 =	simm.s32 $0xA;
	s6 =	simm.s32 $0x10;
	s4 =	sld [smem:$0x3FC7]  }
0x93: {  	[smem:s6], [sflag:s5] =	dma.local [hbm:s2], $0x1  }
0x94: {  	_ =	swait.eq [sflag:s5], $0x1  }
0x95: {  	s17 =	sld [smem:$0x10]  }
0x96: {  	s18 =	sld [smem:$0x11]  }
0x97: {  	s7 =	sld [smem:$0x12];
	[sflag:s5] =	ssyncset.done $0x0  }
0x98: {  	s8 =	sld [smem:$0x13];
	[sflag:s5] =	ssyncadd.s32 $0xFFFFFFFF  }
0x99: {  	s19 =	sld [smem:$0x14];
	(tm) =	ssettm $0x1  }
0x9a: {  	s9 =	sld [smem:$0x3FFB];
	_ =	sdelay $0x3  }
0x9b: {  	_ =	strace s9  }
0x9c: {  	s9 =	sld [smem:$0x3FFC];
	_ =	sdelay $0x3  }
0x9d: {  	_ =	strace s9  }
0x9e: {  	s9 =	sld [smem:$0x3FFD];
	_ =	sdelay $0x3  }
0x9f: {  	_ =	strace s9  }
0xa0: {  	_ =	strace $0x8FFFFFFF  }
0xa1: {  	s20 =	sld [smem:$0x3FDB];
	_ =	sdelay $0x1  }
0xa2: {  	s10 =	simm.s32 $_scs_section_size  }
0xa3: {  	s11 =	simm.s32 $_size__tile_overlayer_lowered;
	s12 =	simm.s32 $_tile_overlayer_lowered  }
0xa4: {  	s23 =	simm.s32 $0x1BFF;
	s22 =	sshll.u32 s12, $0x1;
	s9 =	sadd.s32 s10, s20  }
0xa5: {  	s13 =	simm.s32 $0x0;
	s21 =	sshll.u32 s11, $0x1;
	s11 =	sadd.s32 s22, s9  }
0xa6: {  	[timem:s13], [sflag:s23] =	dma.local [hbm:s11], s21  }
0xa7: {  	_ =	swait.ge [sflag:s23], s21  }
0xa8: {  	s10 =	ssub.s32 $0x0, s21;
	[sflag:s23] =	ssyncset.done $0x0  }
0xa9: {  	[sflag:s23] =	ssyncadd.s32 s10;
	_ =	sdelay $0x1  }
0xaa: {  	s24 =	simm.s32 $0x1B8B  }
0xab: {  	_ =	swait.ge [sflag:s24], $0x1  }
0xac: {  	[sflag:s24] =	ssyncset.done $0x0  }
0xad: {  	s25 =	simm.s32 $0x1B8E;
	[sflag:s24] =	ssyncadd.s32 $0xFFFFFFFF  }
0xae: {  	s26 =	simm.s32 $execute0_lowered;
	[smem:$0x3FD2] =	sst s25  }
0xaf: {  	s10 =	sshll.u32 s26, $0x1;
	_ =	strace $0x80000046;
	[dreg:$0x1] =	wrdreg $0xFFFFFFFF  }
0xb0: {  	s28 =	simm.s32 $_size_execute0_lowered;
	s9 =	sadd.s32 s9, s10;
	[dreg:$0x0] =	wrdreg $0x0  }
0xb1: {  	s10 =	sshll.u32 s28, $0x1;
	[dreg:$0x2] =	wrdreg s9  }
0xb2: {  	[dreg:$0x3] =	wrdreg s10  }
0xb3: {  	[dreg:$0x4] =	wrdreg $0xC0  }
0xb4: {  	_ =	task [dreg:s13], $0x5FFFF  }
0xb5: {  	[dreg:$0x1] =	wrdreg $0xFFFFFFFF  }
0xb6: {  	[dreg:$0x0] =	wrdreg $0x60  }
0xb7: {  	[dreg:$0x2] =	wrdreg s16  }
0xb8: {  	[dreg:$0x3] =	wrdreg s4  }
0xb9: {  	[dreg:$0x4] =	wrdreg s17  }
0xba: {  	[dreg:$0x5] =	wrdreg s18  }
0xbb: {  	[dreg:$0x6] =	wrdreg s7  }
0xbc: {  	[dreg:$0x7] =	wrdreg s8  }
0xbd: {  	[dreg:$0x8] =	wrdreg s19  }
0xbe: {  	[dreg:$0x9] =	wrdreg $0x9  }
0xbf: {  	_ =	task.clear_ibuf [dreg:s13], $0xAFFFF;
	_ =	strace $0x90000046  }
0xc0: {  	s29 =	simm.s32 $0x9;
	_ =	strace $0x80000048  }
0xc1: {  	_ =	swait.ge [sflag:s29], $0x1  }
0xc2: {  	[sflag:s29] =	ssyncadd.s32 $0xFFFFFFFF  }
0xc3: {  	_ =	strace $0x90000048  }
0xc4: {  	_ =	sfence  }
0xc5: {  	s30 =	sld [smem:$0x0];
	_ =	sdelay $0x2  }
0xc6: {  	s31 =	sshll.u32 s1, $0xD;
	s1 =	sshrl.u32 s1, $0x2  }
0xc7: {  	s3 =	sand.u32 $0x4000, s31;
	s1 =	sadd.s32 s1, s30  }
0xc8: {  	s0 =	sor.u32 s3, s0;
	s1 =	sshll.u32 s1, $0x11  }
0xc9: {  	s0 =	sor.u32 s1, s0  }
0xca: {  	s0 =	sadd.s32 $0x8F2B, s0  }
0xcb: {  	[sflag:s0] =	ssyncadd.remote.s32 $0x1  }
0xcc: {  	_ =	sfence.sel $0xFFFF  }
0xcd: {  	[dreg:$0x0] =	wrdreg $0xFFFFFFFF;
	(pc) =	sbr.abs _section_cstart, $3  }
0xce: {  	[dreg:$0x1] =	wrdreg $0xFFFFFFFF  }
0xcf: {  	_ =	task.clear_ibuf [dreg:s13], $0x2FFFF;
	_ =	strace $0x9FFFFFFF  }
0xd0: {  	(tm) =	ssettm $0x7FFFFFFF  }
0xd1: {  	_ =	shalt  }
tec
execute0_lowered:
.L_overlay_start_1:
0x0: {  	(tag) =	ssettag $0x1  }
0x1: {  	v0 =	vimm.s32 $0x76543210;
	v1 =	vimm.s32 $0xFEDCBA98;
	v2 =	vimm.s32 $0xBA98FEDC  }
0x2: {  	v3 =	vimm.s32 $0x32107654;
	v4 =	vimm.s32 $0xDCFE98BA;
	v1 =	vunpack.c.l.s4.s8 v1  }
0x3: {  	v0 =	vunpack.c.l.s4.s8 v0;
	v2 =	vunpack.c.l.s4.s8 v2;
	v3 =	vunpack.c.l.s4.s8 v3  }
0x4: {  	v5 =	vimm.s32 $0x54761032;
	v4 =	vunpack.c.l.s4.s8 v4;
	v1 =	vunpack.c.0.s8.s32 v1  }
0x5: {  	v0 =	vunpack.c.0.s8.s32 v0;
	v2 =	vunpack.c.0.s8.s32 v2;
	v3 =	vunpack.c.0.s8.s32 v3  }
0x6: {  	v5 =	vunpack.c.l.s4.s8 v5;
	v1 =	vand.u32 $0xF, v1  }
0x7: {  	v0 =	vcombine.low v1, v0;
	v1 =	vcombine.low v3, v2;
	v2 =	vunpack.c.0.s8.s32 v4  }
0x8: {  	v3 =	vunpack.c.0.s8.s32 v5;
	v4 =	vimm.s32 $0xEFCDAB89;
	v5 =	vimm.s32 $0x67452301  }
0x9: {  	v6 =	vimm.s32 $0xEDCBA987;
	v4 =	vunpack.c.l.s4.s8 v4;
	v5 =	vunpack.c.l.s4.s8 v5  }
0xa: {  	v2 =	vcombine.low v3, v2;
	v3 =	vunpack.c.l.s4.s8 v6  }
0xb: {  	v6 =	vimm.s32 $0x65432100;
	v4 =	vunpack.c.0.s8.s32 v4;
	v5 =	vunpack.c.0.s8.s32 v5  }
0xc: {  	v7 =	vimm.s32 $0xDCBA9876;
	v6 =	vunpack.c.l.s4.s8 v6;
	v3 =	vunpack.c.0.s8.s32 v3  }
0xd: {  	s0 =	rddreg [dreg:$0x0];
	v4 =	vcombine.low v5, v4;
	v5 =	vunpack.c.l.s4.s8 v7  }
0xe: {  	s1 =	rddreg [dreg:$0x1];
	v6 =	vunpack.c.0.s8.s32 v6;
	v7 =	vand.u32 $0xF, v3;
	v3 =	vimm.s32 $0x54321000  }
0xf: {  	s2 =	rddreg [dreg:$0x2];
	v9 =	vimm.s32 $0xE40000;
	v8 =	vunpack.c.l.s4.s8 v3;
	v5 =	vunpack.c.0.s8.s32 v5  }
0x10: {  	s3 =	rddreg [dreg:$0x3];
	v3 =	vand.u32 $0xF, v4;
	v4 =	vcombine.low v6, v7;
	v6 =	vunpack.c.l.s2.s4 v9  }
0x11: {  	s4 =	rddreg [dreg:$0x4];
	v7 =	vunpack.c.0.s8.s32 v8;
	v8 =	vand.u32 $0xF, v5;
	v5 =	vimm.s32 $0xBA987654  }
0x12: {  	s5 =	rddreg [dreg:$0x5];
	v9 =	vimm.s32 $0x32100000;
	v11 =	vunpack.c.l.s4.s8 v6;
	v10 =	vunpack.c.l.s4.s8 v5  }
0x13: {  	s7 =	rddreg [dreg:$0x6];
	s9 =	srdreg.scid;
	v6 =	vcombine.low v7, v8;
	v7 =	vunpack.c.l.s4.s8 v9  }
0x14: {  	s6 =	rddreg [dreg:$0x7];
	s8 =	stileid.u32;
	s14 =	simm.s32 $0x200;
	v9 =	vimm.s32 $0x7060504;
	v8 =	vunpack.c.0.s8.s32 v10;
	v10 =	vunpack.c.0.s8.s32 v11  }
0x15: {  	s15 =	simm.s32 $0x100;
	s16 =	simm.s32 $0x80;
	s17 =	simm.s32 $0x2200;
	v9 =	vunpack.c.0.s8.s32 v9;
	v7 =	vunpack.c.0.s8.s32 v7  }
0x16: {  	vm2 =	vcmask $0x3F30;
	s18 =	simm.s32 $0x4200;
	s19 =	simm.s32 $0x6200;
	s20 =	simm.s32 $0x8200;
	v8 =	vand.u32 $0xF, v8;
	v10 =	vand.u32 $0x3, v10  }
0x17: {  	s21 =	simm.s32 $0x0;
	s10 =	sand.u32 $0x1, s9;
	s9 =	simm.s32 $0x0;
	v7 =	vcombine.low v7, v8;
	v8 =	vsel vm2, v9, v10;
	v9 =	vimm.s32 $0xF  }
0x18: {  	s12 =	sshll.u32 s8, $0x1;
	s11 =	ssub.s32 $0x2, s10;
	[smem:$0x7FF] =	sst s9  }
0x19: {  	vm0 =	vmmov $0x3;
	s12 =	sor.u32 s10, s12;
	s13 =	sshrl.u32 s11, $0x1;
	_ =	strace $0x80000047  }
0x1a: {  	vm1 =	vmmov $0xf;
	s10 =	sshll.u32 s12, $0xF;
	p0 =	sne.s32 s12, $0x0;
	s11 =	ssub.s32 s11, s13;
	v1 =	vand.u32 $0xF, v1;
	v2 =	vand.u32 $0xF, v2  }
0x1b: {  	s12 =	simm.s32 $0x1;
	s13 =	simm.s32 $0x180;
	s11 =	smax.u32 s11, $0x1;
	v5 =	vlaneseq.u32;
	vm2 =	vmmov $0xff;
	v10 =	vimm.s32 $0x0  }
.LBB2_1:
0x1c: {  	[tilespmem:s9], [sflag:$0x1] =	stream.linear.gather [hbm4b:s1+s9], $0x80, $0x38;
	[tilespmem:$0xA200] =	vst v63  }
0x1d: {  	_ =	swait.ge [sflag:s12], $0x80  }
0x1e: {  	[sflag:s12] =	ssyncset.done $0x0  }
0x1f: {  	[sflag:s12] =	ssyncadd.s32 $0xFFFFFF80  }
0x20: {  	v11 =	vld [tilespmem:$0x0]  }
0x21: {  	v12 =	vld [tilespmem:$0x10];
	_ =	sdelay $0x4  }
0x22: {  	v13 =	vmax.f32 v11, v12  }
0x23: {  	[tilespmem:$0x180] =	vst v13  }
0x24: {  	v14 =	vld.idx.msk [tilespmem:v0+s13+$0x0], $0xffff;
	_ =	sdelay $0x4  }
0x25: {  	v13 =	vmax.f32 v13, v14  }
0x26: {  	[tilespmem:$0x180] =	vst v13  }
0x27: {  	v46 =	vld.idx.msk [tilespmem:v1+s13+$0x0], $0xffff;
	_ =	sdelay $0x4  }
0x28: {  	v13 =	vmax.f32 v13, v46  }
0x29: {  	[tilespmem:$0x180] =	vst v13  }
0x2a: {  	v47 =	vld.idx.msk [tilespmem:v2+s13+$0x0], $0xffff;
	_ =	sdelay $0x4  }
0x2b: {  	v13 =	vmax.f32 v13, v47  }
0x2c: {  	[tilespmem:$0x180] =	vst v13  }
0x2d: {  	v48 =	vld.idx.msk [tilespmem:v3+s13+$0x0], $0xffff;
	_ =	sdelay $0x4  }
0x2e: {  	v13 =	vmax.f32 v13, v48  }
0x2f: {  	v11 =	vsub.f32 v11, v13  }
0x30: {  	v12 =	vsub.f32 v12, v13  }
0x31: {  	v11 =	vmul.f32 $1.442695020e+00, v11  }
0x32: {  	v12 =	vmul.f32 $1.442695020e+00, v12  }
0x33: {  	(erf) = vpow2.f32 v11  }
0x34: {  	(erf) = vpow2.f32 v12;
	_ =	sdelay $0x7  }
0x35: {  	v11 =	vpop (erf)  }
0x36: {  	v12 =	vpop (erf)  }
0x37: {  	v49 =	vadd.f32 v12, v11;
	_ =	sdelay $0x1  }
0x38: {  	[tilespmem:$0x180] =	vst v49  }
0x39: {  	v50 =	vld.idx.msk [tilespmem:v0+s13+$0x0], $0xffff;
	_ =	sdelay $0x4  }
0x3a: {  	v13 =	vadd.f32 v49, v50;
	_ =	sdelay $0x1  }
0x3b: {  	[tilespmem:$0x180] =	vst v13  }
0x3c: {  	v51 =	vld.idx.msk [tilespmem:v1+s13+$0x0], $0xffff;
	_ =	sdelay $0x4  }
0x3d: {  	v13 =	vadd.f32 v13, v51;
	_ =	sdelay $0x1  }
0x3e: {  	[tilespmem:$0x180] =	vst v13  }
0x3f: {  	v52 =	vld.idx.msk [tilespmem:v2+s13+$0x0], $0xffff;
	_ =	sdelay $0x4  }
0x40: {  	v13 =	vadd.f32 v13, v52;
	_ =	sdelay $0x1  }
0x41: {  	[tilespmem:$0x180] =	vst v13  }
0x42: {  	v53 =	vld.idx.msk [tilespmem:v3+s13+$0x0], $0xffff;
	_ =	sdelay $0x4  }
0x43: {  	v13 =	vadd.f32 v53, v13;
	_ =	sdelay $0x1  }
0x44: {  	(erf) = vrcp.f32 v13;
	_ =	sdelay $0x8  }
0x45: {  	v13 =	vpop (erf)  }
0x46: {  	v11 =	vmul.f32 v13, v11  }
0x47: {  	v12 =	vmul.f32 v13, v12  }
0x48: {  	[tilespmem:$0x80] =	vst v11  }
0x49: {  	[tilespmem:$0x90] =	vst v12  }
0x4a: {  	[tilespmem:$0x180] =	vst v11  }
0x4b: {  	v54 =	vld.idx.msk [tilespmem:v4+s13+$0x0], $0xffff;
	_ =	sdelay $0x3  }
0x4c: {  	vm3 =	veq.s32 v5, $0x0  }
0x4d: {  	v13 =	vsel vm3, $0x0, v54  }
0x4e: {  	v13 =	vadd.f32 v13, v11;
	_ =	sdelay $0x1  }
0x4f: {  	[tilespmem:$0x180] =	vst v13  }
0x50: {  	v55 =	vld.idx.msk [tilespmem:v6+s13+$0x0], $0xffff;
	_ =	sdelay $0x4  }
0x51: {  	v14 =	vsel vm0, $0x0, v55  }
0x52: {  	v13 =	vadd.f32 v14, v13;
	_ =	sdelay $0x1  }
0x53: {  	[tilespmem:$0x180] =	vst v13  }
0x54: {  	v56 =	vld.idx.msk [tilespmem:v7+s13+$0x0], $0xffff;
	_ =	sdelay $0x4  }
0x55: {  	v14 =	vsel vm1, $0x0, v56  }
0x56: {  	v13 =	vadd.f32 v14, v13;
	_ =	sdelay $0x1  }
0x57: {  	[tilespmem:$0x180] =	vst v13  }
0x58: {  	v57 =	vld.idx.msk [tilespmem:v8+s13+$0x0], $0xffff;
	[tilespmem:$0x180] =	vst v11  }
0x59: {  	v15 =	vld.idx.msk [tilespmem:v0+s13+$0x0], $0xffff;
	_ =	sdelay $0x4  }
0x5a: {  	v11 =	vadd.f32 v15, v11;
	_ =	sdelay $0x1  }
0x5b: {  	[tilespmem:$0x180] =	vst v11  }
0x5c: {  	v58 =	vld.idx.msk [tilespmem:v1+s13+$0x0], $0xffff;
	_ =	sdelay $0x4  }
0x5d: {  	v11 =	vadd.f32 v58, v11;
	_ =	sdelay $0x1  }
0x5e: {  	[tilespmem:$0x180] =	vst v11  }
0x5f: {  	v59 =	vld.idx.msk [tilespmem:v2+s13+$0x0], $0xffff;
	_ =	sdelay $0x4  }
0x60: {  	v11 =	vadd.f32 v59, v11;
	_ =	sdelay $0x1  }
0x61: {  	[tilespmem:$0x180] =	vst v11  }
0x62: {  	v60 =	vld.idx.msk [tilespmem:v3+s13+$0x0], $0xffff;
	[tilespmem:$0x180] =	vst v12  }
0x63: {  	v16 =	vld.idx.msk [tilespmem:v4+s13+$0x0], $0xffff;
	_ =	sdelay $0x4  }
0x64: {  	v16 =	vsel vm3, $0x0, v16  }
0x65: {  	v12 =	vadd.f32 v16, v12;
	_ =	sdelay $0x1  }
0x66: {  	[tilespmem:$0x180] =	vst v12  }
0x67: {  	v61 =	vld.idx.msk [tilespmem:v6+s13+$0x0], $0xffff;
	_ =	sdelay $0x4  }
0x68: {  	v16 =	vsel vm0, $0x0, v61  }
0x69: {  	v12 =	vadd.f32 v16, v12;
	_ =	sdelay $0x1  }
0x6a: {  	[tilespmem:$0x180] =	vst v12  }
0x6b: {  	v62 =	vld.idx.msk [tilespmem:v7+s13+$0x0], $0xffff;
	_ =	sdelay $0x4  }
0x6c: {  	v16 =	vsel vm1, $0x0, v62  }
0x6d: {  	v12 =	vadd.f32 v16, v12;
	_ =	sdelay $0x1  }
0x6e: {  	[tilespmem:$0x180] =	vst v12  }
0x6f: {  	v63 =	vld.idx.msk [tilespmem:v8+s13+$0x0], $0xffff;
	_ =	sdelay $0x4  }
0x70: {  	v16 =	vsel vm2, $0x0, v63  }
0x71: {  	v14 =	vsel vm2, $0x0, v57;
	v11 =	vadd.f32 v60, v11;
	v12 =	vadd.f32 v16, v12  }
0x72: {  	v13 =	vadd.f32 v14, v13  }
0x73: {  	v11 =	vadd.f32 v12, v11  }
0x74: {  	[tilespmem:$0x100] =	vst v13  }
0x75: {  	s22 =	simm.s32 @!p0 $0x0;
	s23 =	simm.s32 @!p0 $0x80;
	[tilespmem:$0x110] =	vst v11  }
0x76: {  	[hbm4b:s3+s22] =	stream.linear.scatter @!p0 [tilespmem:s23], [sflag:$0x1], $0x80, $0x38;
	[tilespmem:$0xA200] =	vst v63  }
0x77: {  	s22 =	simm.s32 @!p0 $0x1  }
0x78: {  	_ =	swait.ge @!p0 [sflag:s22], $0x80  }
0x79: {  	[sflag:s22] =	ssyncset.done @!p0 $0x0  }
0x7a: {  	[sflag:s22] =	ssyncadd.s32 @!p0 $0xFFFFFF80;
	s22 =	simm.s32 $0x0  }
.LBB2_2:
0x7b: {  	s23 =	sshll.u32 s22, $0xA  }
0x7c: {  	s23 =	sadd.s32 s10, s23  }
0x7d: {  	s24 =	simm.s32 $0x0;
	s25 =	sadd.s32 s0, s23  }
0x7e: {  	[tilespmem:s14], [sflag:$0x1] =	stream.linear.gather [hbm4b:s25+s24], $0x2000, $0x38;
	[tilespmem:$0xA200] =	vst v63  }
0x7f: {  	_ =	swait.ge [sflag:s12], $0x2000  }
0x80: {  	[sflag:s12] =	ssyncset.done $0x0  }
0x81: {  	[sflag:s12] =	ssyncadd.s32 $0xFFFFE000  }
.LBB2_3:
0x82: {  	s25 =	sshra.s32 s24, $0x2;
	v12 =	vld.idx.msk [tilespmem:v9+s15+$0x0], $0xffff  }
0x83: {  	v11 =	vld [tilespmem:s25+$0x200];
	_ =	sdelay $0x4  }
0x84: {  	vm3 =	vlt.f32 v12, v11  }
0x85: {  	v12 =	vsel vm3, $0x10, v10  }
0x86: {  	v13 =	vor.u32 $0x7, v12;
	_ =	sdelay $0x4  }
0x87: {  	v13 =	vld.idx.msk [tilespmem:v13+s15+$0x0], $0xffff;
	_ =	sdelay $0x4  }
0x88: {  	vm3 =	vlt.f32 v13, v11  }
0x89: {  	v13 =	vsel vm3, $0x8, v10  }
0x8a: {  	v12 =	vor.u32 v12, v13  }
0x8b: {  	v13 =	vor.u32 $0x3, v12;
	_ =	sdelay $0x4  }
0x8c: {  	v13 =	vld.idx.msk [tilespmem:v13+s15+$0x0], $0xffff;
	_ =	sdelay $0x4  }
0x8d: {  	vm3 =	vlt.f32 v13, v11  }
0x8e: {  	v13 =	vsel vm3, $0x4, v10  }
0x8f: {  	v12 =	vor.u32 v13, v12  }
0x90: {  	v13 =	vor.u32 $0x1, v12;
	_ =	sdelay $0x4  }
0x91: {  	v13 =	vld.idx.msk [tilespmem:v13+s15+$0x0], $0xffff;
	_ =	sdelay $0x4  }
0x92: {  	vm3 =	vlt.f32 v13, v11  }
0x93: {  	v13 =	vsel vm3, $0x2, v10  }
0x94: {  	v12 =	vor.u32 v13, v12;
	_ =	sdelay $0x4  }
0x95: {  	v13 =	vld.idx.msk [tilespmem:v12+s15+$0x0], $0xffff;
	_ =	sdelay $0x4  }
0x96: {  	vm3 =	vlt.f32 v13, v11  }
0x97: {  	v11 =	vsel vm3, $0x1, v10  }
0x98: {  	v11 =	vor.u32 v11, v12;
	_ =	sdelay $0x4  }
0x99: {  	v12 =	vld.idx.msk [tilespmem:v11+s15+$0x0], $0xffff  }
0x9a: {  	v63 =	vld.idx.msk [tilespmem:v11+s16+$0x0], $0xffff;
	_ =	sdelay $0x1  }
0x9b: {  	p1 =	sne.s32 s24, $0x7FC0  }
.Ltmp0:
0x9c: {  	_ = 	snop;
	(pc) =	sbr.rel @p1 .LBB2_3-.Ltmp0, $4  }
0x9d: {  	[tilespmem:s25+$0x2200] =	vst v11  }
0x9e: {  	v11 =	vsub.f32 v12, v63;
	[tilespmem:s25+$0x4200] =	vst v63  }
0x9f: {  	[tilespmem:s25+$0x8200] =	vst v12  }
0xa0: {  	s24 =	sadd.s32 $0x40, s24;
	[tilespmem:s25+$0x6200] =	vst v11  }
0xa1: {  	s24 =	sadd.s32 s2, s23  }
0xa2: {  	[hbm4b:s24+s9] =	stream.linear.scatter [tilespmem:s17], [sflag:$0x1], $0x2000, $0x38;
	[tilespmem:$0xA200] =	vst v63  }
0xa3: {  	_ =	swait.ge [sflag:s12], $0x2000  }
0xa4: {  	[sflag:s12] =	ssyncset.done $0x0  }
0xa5: {  	s29 =	sadd.s32 s4, s23;
	[sflag:s12] =	ssyncadd.s32 $0xFFFFE000  }
0xa6: {  	[hbm4b:s29+s9] =	stream.linear.scatter [tilespmem:s18], [sflag:$0x1], $0x2000, $0x38;
	[tilespmem:$0xA200] =	vst v63  }
0xa7: {  	_ =	swait.ge [sflag:s12], $0x2000  }
0xa8: {  	[sflag:s12] =	ssyncset.done $0x0  }
0xa9: {  	s30 =	sadd.s32 s5, s23;
	[sflag:s12] =	ssyncadd.s32 $0xFFFFE000  }
0xaa: {  	[hbm4b:s30+s9] =	stream.linear.scatter [tilespmem:s19], [sflag:$0x1], $0x2000, $0x38;
	[tilespmem:$0xA200] =	vst v63  }
0xab: {  	s22 =	sadd.s32 $0x1, s22;
	_ =	swait.ge [sflag:s12], $0x2000  }
0xac: {  	p1 =	sne.s32 s22, $0x20;
	[sflag:s12] =	ssyncset.done $0x0  }
.Ltmp1:
0xad: {  	s31 =	sadd.s32 s7, s23;
	[sflag:s12] =	ssyncadd.s32 $0xFFFFE000;
	(pc) =	sbr.rel @p1 .LBB2_2-.Ltmp1, $4  }
0xae: {  	[hbm4b:s31+s9] =	stream.linear.scatter [tilespmem:s20], [sflag:$0x1], $0x2000, $0x38;
	[tilespmem:$0xA200] =	vst v63  }
0xaf: {  	_ =	swait.ge [sflag:s12], $0x2000  }
0xb0: {  	[sflag:s12] =	ssyncset.done $0x0  }
0xb1: {  	[sflag:s12] =	ssyncadd.s32 $0xFFFFE000  }
0xb2: {  	s21 =	sadd.s32 $0x1, s21  }
0xb3: {  	p1 =	sne.s32 s21, s11  }
.Ltmp2:
0xb4: {  	_ = 	snop;
	(pc) =	sbr.rel @p1 .LBB2_1-.Ltmp2, $1  }
0xb5: {  	_ =	sdelay $0x3  }
0xb6: {  	_ =	sfence.sel $0x180000  }
0xb7: {  	[bflag:$0x0] =	sbarrier.arrive $0xFFFF  }
0xb8: {  	p0 =	sne.s32 s8, $0x0;
	_ =	strace $0x90000047  }
0xb9: {  	s0 =	sadd.s32 @!p0 $0x100000, s6;
	[bflag:$0x2] =	sbarrier.arrive $0xFFFF  }
0xba: {  	[sflag:s0] =	ssyncadd.tile.s32 @!p0 $0x1;
	_ =	shalt  }
.Lfunc_end2:
_tile_overlayer_lowered:
.L_overlay_start_2:
0xbb: {  	(tag) =	ssettag $0x2  }
0xbc: {  	s0 =	rddreg [dreg:$0x0];
	s2 =	stileid.u32  }
0xbd: {  	s1 =	rddreg [dreg:$0x1];
	p0 =	sne.s32 s2, $0x0  }
0xbe: {  	s3 =	rddreg [dreg:$0x2];
	[bflag:$0x3] =	sbarrier.arrive $0xFFFF;
	s2 =	simm.s32 @!p0 $0x1C01  }
0xbf: {  	[timem:s3], [sflag:s2] =	dma.local @!p0 [hbm:s0], s1  }
0xc0: {  	s0 =	simm.s32 @!p0 $0x1  }
0xc1: {  	_ =	swait.ge @!p0 [sflag:s0], s1  }
0xc2: {  	s1 =	ssub.s32 @!p0 $0x0, s1;
	[sflag:s0] =	ssyncset.done @!p0 $0x0  }
0xc3: {  	[sflag:s0] =	ssyncadd.s32 @!p0 s1  }
0xc4: {  	[bflag:$0x3] =	sbarrier.arrive $0xFFFF  }
0xc5: {  	_ =	shalt  }

</sc_bundles>
